<compile_context>
chip_gen: v7x
topology: tpu7x:2x2x1
jax: 0.10.2.dev20260603
libtpu: 0.0.44.dev20260713+nightly
codegen_flags: <defaults>
</compile_context>

<pallas_src>
import functools

import jax
import jax.numpy as jnp
from jax import lax
from jax.experimental import pallas as pl
from jax.experimental.pallas import tpu as pltpu
from jax.experimental.pallas import tpu_sc as plsc

BN_EPS = 1e-3

NC = 2
NS = 16
NW = NC * NS


def _repack_body(a_ref, b_ref, o_ref):
    embed = a_ref.shape[1]
    o_ref[:, :embed] = a_ref[...]
    o_ref[:, embed:] = b_ref[...]


def _tc_repack(table):
    v, embed = table.shape
    rows = 2000
    grid = v // 2 // rows
    return pl.pallas_call(
        _repack_body,
        grid=(grid,),
        in_specs=[
            pl.BlockSpec((rows, embed), lambda i: (i, 0)),
            pl.BlockSpec((rows, embed), lambda i, g=grid: (i + g, 0)),
        ],
        out_specs=pl.BlockSpec((rows, 2 * embed), lambda i: (i, 0)),
        out_shape=jax.ShapeDtypeStruct((v // 2, 2 * embed), jnp.float32),
    )(table, table)


def _sc_gather_pairs(table2, pidx2, n_rows):
    b_per_w = pidx2.shape[1]
    K = 128
    nbatch = b_per_w // K
    pair = table2.shape[1]
    mesh = plsc.VectorSubcoreMesh(core_axis_name="c", subcore_axis_name="s")

    @functools.partial(
        pl.kernel,
        mesh=mesh,
        out_type=jax.ShapeDtypeStruct((n_rows, pair), jnp.float32),
        scratch_types=[
            pltpu.VMEM((b_per_w,), jnp.int32),
            pltpu.VMEM((2, K, pair), jnp.float32),
            pltpu.SemaphoreType.DMA,
            pltpu.SemaphoreType.DMA,
        ],
    )
    def gather_kernel(table_hbm, pidx_hbm, out_hbm, pidx_v, pairs_v,
                      gsem, wsem):
        wid = lax.axis_index("s") * NC + lax.axis_index("c")
        wbase = wid * b_per_w
        pltpu.sync_copy(pidx_hbm.at[wid], pidx_v)

        def gather_copy(b, buf):
            return pltpu.make_async_copy(
                table_hbm.at[pidx_v.at[pl.ds(b * K, K)]],
                pairs_v.at[buf],
                gsem,
            )

        def write_copy(b, buf):
            return pltpu.make_async_copy(
                pairs_v.at[buf],
                out_hbm.at[pl.ds(wbase + b * K, K)],
                wsem,
            )

        def do_batch(b, buf):
            gather_copy(b, buf).wait()
            cp = write_copy(b, buf)
            cp.start()
            cp.wait()

            @pl.when(b + 2 < nbatch)
            def _():
                gather_copy(b + 2, buf).start()

        gather_copy(0, 0).start()
        gather_copy(1, 1).start()

        @pl.loop(0, nbatch, step=2)
        def _(b):
            do_batch(b, 0)
            do_batch(b + 1, 1)

    return gather_kernel(table2, pidx2)


def _mlp_body(x_ref, m_ref, w1_ref, b1_ref, g_ref, be_ref, mm_ref, mv_ref,
              w2_ref, b2_ref, o_ref):
    xm = x_ref[...] * m_ref[...]
    h = jnp.dot(xm, w1_ref[...], preferred_element_type=jnp.float32)
    h = jnp.maximum(h + b1_ref[...], 0.0)
    s = g_ref[...] * lax.rsqrt(mv_ref[...] + BN_EPS)
    t = be_ref[...] - s * mm_ref[...]
    h = h * s + t
    o_ref[...] = (
        jnp.dot(h, w2_ref[...], preferred_element_type=jnp.float32)
        + b2_ref[...]
    )


def _tc_mlp(xpair, mask, W1s, b1, gamma, beta, mmean, mvar, W2, b2,
            block_m):
    n, pair = xpair.shape
    hdim = W2.shape[1]
    row = lambda v: v.reshape(1, -1)
    vec_spec = pl.BlockSpec((1, hdim), lambda i: (0, 0))
    return pl.pallas_call(
        _mlp_body,
        grid=(n // block_m,),
        in_specs=[
            pl.BlockSpec((block_m, pair), lambda i: (i, 0)),
            pl.BlockSpec((block_m, pair), lambda i: (i, 0)),
            pl.BlockSpec((pair, hdim), lambda i: (0, 0)),
            vec_spec, vec_spec, vec_spec, vec_spec, vec_spec,
            pl.BlockSpec((hdim, hdim), lambda i: (0, 0)),
            vec_spec,
        ],
        out_specs=pl.BlockSpec((block_m, hdim), lambda i: (i, 0)),
        out_shape=jax.ShapeDtypeStruct((n, hdim), jnp.float32),
    )(xpair, mask, W1s, row(b1), row(gamma), row(beta), row(mmean),
      row(mvar), W2, row(b2))


def kernel(anchor, positive, negative, emb_table, W1, b1, gamma, beta,
           moving_mean, moving_var, W2, b2):
    b = anchor.shape[0]
    nb = 3 * b
    embed = emb_table.shape[1]
    idx = jnp.concatenate([anchor, positive, negative]).astype(jnp.int32)

    half_v = emb_table.shape[0] // 2
    table2 = emb_table.reshape(half_v, 2 * embed)
    pidx = lax.shift_right_logical(idx, 1)
    xpair = _sc_gather_pairs(table2, pidx.reshape(NW, nb // NW), nb)

    par = (idx & 1) == 1
    hi = jnp.arange(2 * embed, dtype=jnp.int32) >= embed
    mask = (par[:, None] == hi[None, :]).astype(jnp.float32)
    W1s = jnp.concatenate([W1, W1], axis=0)

    out = _tc_mlp(xpair, mask, W1s, b1, gamma, beta, moving_mean,
                  moving_var, W2, b2, block_m=2048)
    return (out[:b], out[b:2 * b], out[2 * b:])

# --- scband reference (transcript-rebuilt; emitter-appended) ---
"""Pipeline reference for scband-triplet-model-1838246003291 (READ-ONLY COPY).

The authoritative reference and input builder live on the scoring server;
editing this copy changes nothing except your own understanding.
"""

import jax, jax.numpy as jnp
import numpy as np

VOCAB = 1000000
EMBED = 64
B = 16384
H = 128
BN_EPS = 1e-3

def setup_inputs(seed: int = 0) -> dict:
    key = jax.random.key(seed)
    ks = jax.random.split(key, 8)
    inp = {}
    inp["anchor"] = jax.random.randint(ks[0], (B,), 0, VOCAB, dtype=jnp.int64) if jax.config.jax_enable_x64 else jax.random.randint(ks[0], (B,), 0, VOCAB)
    inp["positive"] = jax.random.randint(ks[1], (B,), 0, VOCAB)
    inp["negative"] = jax.random.randint(ks[2], (B,), 0, VOCAB)
    # learned parameters
    inp["emb_table"] = jax.random.normal(ks[3], (VOCAB, EMBED), dtype=jnp.float32) * 0.05
    inp["W1"] = jax.random.normal(ks[4], (EMBED, H), dtype=jnp.float32) * (1.0 / np.sqrt(EMBED))
    inp["b1"] = jnp.zeros((H,), dtype=jnp.float32)
    inp["gamma"] = jnp.ones((H,), dtype=jnp.float32)
    inp["beta"] = jnp.zeros((H,), dtype=jnp.float32)
    inp["moving_mean"] = jnp.zeros((H,), dtype=jnp.float32)
    inp["moving_var"] = jnp.ones((H,), dtype=jnp.float32)
    inp["W2"] = jax.random.normal(ks[5], (H, H), dtype=jnp.float32) * (1.0 / np.sqrt(H))
    inp["b2"] = jnp.zeros((H,), dtype=jnp.float32)
    return inp

def _network(x, W1, b1, gamma, beta, mmean, mvar, W2, b2):
    # Dense(128, relu)
    h = jnp.maximum(jnp.dot(x, W1) + b1, 0.0)
    # BatchNormalization (inference: uses moving statistics, keras eps=1e-3)
    h = gamma * (h - mmean) / jnp.sqrt(mvar + BN_EPS) + beta
    # Dropout(0.2) -> identity at inference
    # Dense(128)
    return jnp.dot(h, W2) + b2

def reference(anchor, positive, negative, emb_table, W1, b1, gamma, beta, moving_mean, moving_var, W2, b2):
    a = jnp.take(emb_table, anchor, axis=0)
    p = jnp.take(emb_table, positive, axis=0)
    n = jnp.take(emb_table, negative, axis=0)
    anchor_embed = _network(a, W1, b1, gamma, beta, moving_mean, moving_var, W2, b2)
    positive_embed = _network(p, W1, b1, gamma, beta, moving_mean, moving_var, W2, b2)
    negative_embed = _network(n, W1, b1, gamma, beta, moving_mean, moving_var, W2, b2)
    return (anchor_embed, positive_embed, negative_embed)

if __name__ == "__main__":
    import jax
    _d = setup_inputs()
    print(jax.jit(kernel)(*tuple(_d.values())))

</pallas_src>

<mosaic_0001>
#map = affine_map<(d0, d1) -> (0, 0)>
module attributes {stable_mosaic.version = 14 : i64} {
  func.func @gather_kernel(%arg0: i32, %arg1: i32, %arg2: memref<500000x128xf32, #tpu.memory_space<hbm>>, %arg3: memref<32x1536xi32, #tpu.memory_space<hbm>>, %arg4: memref<49152x128xf32, #tpu.memory_space<hbm>>, %arg5: memref<1536xi32, #tpu.memory_space<vmem>>, %arg6: memref<2x128x128xf32, #tpu.memory_space<vmem>>, %arg7: memref<!tpu.dma_semaphore, #tpu.memory_space<semaphore_mem>>, %arg8: memref<!tpu.dma_semaphore, #tpu.memory_space<semaphore_mem>>) attributes {dimension_semantics = [#tpu.dimension_semantics<core_parallel>, #tpu.dimension_semantics<subcore_parallel>], iteration_bounds = array<i64: 2, 16>, scalar_prefetch = 0 : i64, scratch_operands = 4 : i64, tpu.core_type = #tpu.core_type<sc_vector_subcore>, window_params = [{transform_indices = #map}, {transform_indices = #map}, {transform_indices = #map}]} {
    %mul3A = arith.constant 2 : i32
    %mul3A_0 = arith.muli %arg1, %mul3A : i32
    %add3A = arith.addi %mul3A_0, %arg0 : i32
    %mul3A_1 = arith.constant 1536 : i32
    %mul3A_2 = arith.muli %add3A, %mul3A_1 : i32
    "tpu.region"() ({
      %run_scoped3A = tpu.sem_alloc : memref<!tpu.dma_semaphore, #tpu.memory_space<semaphore_mem>>
      %dma_start3A_26 = arith.constant 0 : i32
      %dma_start3A_27 = tpu.memref_slice %arg3[%add3A, %dma_start3A_26] : memref<32x1536xi32, #tpu.memory_space<hbm>> -> memref<1x1536xi32, #tpu.memory_space<hbm>>
      %dma_start3A_28 = tpu.memref_squeeze %dma_start3A_27 : memref<1x1536xi32, #tpu.memory_space<hbm>> -> memref<1536xi32, #tpu.memory_space<hbm>>
      %dma_start3A_29 = arith.constant 0 : i32
      %dma_start3A_30 = tpu.memref_slice %arg3[%add3A, %dma_start3A_29] : memref<32x1536xi32, #tpu.memory_space<hbm>> -> memref<1x1536xi32, #tpu.memory_space<hbm>>
      %dma_start3A_31 = tpu.memref_squeeze %dma_start3A_30 : memref<1x1536xi32, #tpu.memory_space<hbm>> -> memref<1536xi32, #tpu.memory_space<hbm>>
      tpu.enqueue_dma source(%dma_start3A_31 : memref<1536xi32, #tpu.memory_space<hbm>>) target(%arg5 : memref<1536xi32, #tpu.memory_space<vmem>>) target_semaphore(%run_scoped3A : memref<!tpu.dma_semaphore, #tpu.memory_space<semaphore_mem>>)
      %dma_wait3A = arith.constant 0 : i32
      %dma_wait3A_32 = tpu.memref_slice %arg3[%add3A, %dma_wait3A] : memref<32x1536xi32, #tpu.memory_space<hbm>> -> memref<1x1536xi32, #tpu.memory_space<hbm>>
      %dma_wait3A_33 = tpu.memref_squeeze %dma_wait3A_32 : memref<1x1536xi32, #tpu.memory_space<hbm>> -> memref<1536xi32, #tpu.memory_space<hbm>>
      %dma_wait3A_34 = arith.constant 0 : i32
      %dma_wait3A_35 = tpu.memref_slice %arg3[%add3A, %dma_wait3A_34] : memref<32x1536xi32, #tpu.memory_space<hbm>> -> memref<1x1536xi32, #tpu.memory_space<hbm>>
      %dma_wait3A_36 = tpu.memref_squeeze %dma_wait3A_35 : memref<1x1536xi32, #tpu.memory_space<hbm>> -> memref<1536xi32, #tpu.memory_space<hbm>>
      tpu.wait_dma2 semaphore(%run_scoped3A : memref<!tpu.dma_semaphore, #tpu.memory_space<semaphore_mem>>) src(%dma_wait3A_36 : memref<1536xi32, #tpu.memory_space<hbm>>) dst(%arg5 : memref<1536xi32, #tpu.memory_space<vmem>>)
      tpu.yield
    }) : () -> ()
    %dma_start3A = arith.constant 0 : i32
    %dma_start3A_3 = arith.constant 0 : i32
    %dma_start3A_4 = arith.constant 0 : i32
    %dma_start3A_5 = tpu.memref_slice %arg6[%dma_start3A, %dma_start3A_3, %dma_start3A_4] : memref<2x128x128xf32, #tpu.memory_space<vmem>> -> memref<1x128x128xf32, #tpu.memory_space<vmem>>
    %dma_start3A_6 = tpu.memref_squeeze %dma_start3A_5 : memref<1x128x128xf32, #tpu.memory_space<vmem>> -> memref<128x128xf32, #tpu.memory_space<vmem>>
    %dma_start3A_7 = arith.constant 0 : i32
    %dma_start3A_8 = tpu.memref_slice %arg5[%dma_start3A_7] : memref<1536xi32, #tpu.memory_space<vmem>> -> memref<128xi32, #tpu.memory_space<vmem>>
    %dma_start3A_9 = arith.constant 0 : i32
    %dma_start3A_10 = arith.constant 0 : i32
    %dma_start3A_11 = tpu.memref_slice %arg2[%dma_start3A_9, %dma_start3A_10] : memref<500000x128xf32, #tpu.memory_space<hbm>> -> memref<500000x128xf32, #tpu.memory_space<hbm>>
    tpu.enqueue_indirect_dma source(%dma_start3A_11 : memref<500000x128xf32, #tpu.memory_space<hbm>>) target(%dma_start3A_6 : memref<128x128xf32, #tpu.memory_space<vmem>>) offsets(%dma_start3A_8 : memref<128xi32, #tpu.memory_space<vmem>>) semaphore(%arg7 : memref<!tpu.dma_semaphore, #tpu.memory_space<semaphore_mem>>)
    %dma_start3A_12 = arith.constant 1 : i32
    %dma_start3A_13 = arith.constant 0 : i32
    %dma_start3A_14 = arith.constant 0 : i32
    %dma_start3A_15 = tpu.memref_slice %arg6[%dma_start3A_12, %dma_start3A_13, %dma_start3A_14] : memref<2x128x128xf32, #tpu.memory_space<vmem>> -> memref<1x128x128xf32, #tpu.memory_space<vmem>>
    %dma_start3A_16 = tpu.memref_squeeze %dma_start3A_15 : memref<1x128x128xf32, #tpu.memory_space<vmem>> -> memref<128x128xf32, #tpu.memory_space<vmem>>
    %dma_start3A_17 = arith.constant 128 : i32
    %dma_start3A_18 = tpu.memref_slice %arg5[%dma_start3A_17] : memref<1536xi32, #tpu.memory_space<vmem>> -> memref<128xi32, #tpu.memory_space<vmem>>
    %dma_start3A_19 = arith.constant 0 : i32
    %dma_start3A_20 = arith.constant 0 : i32
    %dma_start3A_21 = tpu.memref_slice %arg2[%dma_start3A_19, %dma_start3A_20] : memref<500000x128xf32, #tpu.memory_space<hbm>> -> memref<500000x128xf32, #tpu.memory_space<hbm>>
    tpu.enqueue_indirect_dma source(%dma_start3A_21 : memref<500000x128xf32, #tpu.memory_space<hbm>>) target(%dma_start3A_16 : memref<128x128xf32, #tpu.memory_space<vmem>>) offsets(%dma_start3A_18 : memref<128xi32, #tpu.memory_space<vmem>>) semaphore(%arg7 : memref<!tpu.dma_semaphore, #tpu.memory_space<semaphore_mem>>)
    %scan3A = arith.constant 0 : i32
    %scan3A_22 = arith.constant 6 : i32
    %scan3A_23 = arith.addi %scan3A, %scan3A_22 : i32
    %scan3A_24 = arith.constant 1 : i32
    scf.for %scan3A_26 = %scan3A to %scan3A_23 step %scan3A_24  : i32 {
      %mul3A_27 = arith.constant 2 : i32
      %mul3A_28 = arith.muli %scan3A_26, %mul3A_27 : i32
      %add3A_29 = arith.constant 0 : i32
      %add3A_30 = arith.addi %add3A_29, %mul3A_28 : i32
      %mul3A_31 = arith.constant 128 : i32
      %mul3A_32 = arith.muli %add3A_30, %mul3A_31 : i32
      %dma_wait3A = arith.constant 0 : i32
      %dma_wait3A_33 = arith.constant 0 : i32
      %dma_wait3A_34 = arith.constant 0 : i32
      %dma_wait3A_35 = tpu.memref_slice %arg6[%dma_wait3A, %dma_wait3A_33, %dma_wait3A_34] : memref<2x128x128xf32, #tpu.memory_space<vmem>> -> memref<1x128x128xf32, #tpu.memory_space<vmem>>
      %dma_wait3A_36 = tpu.memref_squeeze %dma_wait3A_35 : memref<1x128x128xf32, #tpu.memory_space<vmem>> -> memref<128x128xf32, #tpu.memory_space<vmem>>
      %dma_wait3A_37 = tpu.memref_slice %arg5[%mul3A_32] : memref<1536xi32, #tpu.memory_space<vmem>> -> memref<128xi32, #tpu.memory_space<vmem>>
      %dma_wait3A_38 = arith.constant 0 : i32
      %dma_wait3A_39 = arith.constant 0 : i32
      %dma_wait3A_40 = tpu.memref_slice %arg2[%dma_wait3A_38, %dma_wait3A_39] : memref<500000x128xf32, #tpu.memory_space<hbm>> -> memref<500000x128xf32, #tpu.memory_space<hbm>>
      tpu.wait_indirect_dma semaphore(%arg7 : memref<!tpu.dma_semaphore, #tpu.memory_space<semaphore_mem>>) src(%dma_wait3A_40 : memref<500000x128xf32, #tpu.memory_space<hbm>>) dst(%dma_wait3A_36 : memref<128x128xf32, #tpu.memory_space<vmem>>)
      %mul3A_41 = arith.constant 128 : i32
      %mul3A_42 = arith.muli %add3A_30, %mul3A_41 : i32
      %add3A_43 = arith.addi %mul3A_2, %mul3A_42 : i32
      %dma_start3A_44 = arith.constant 0 : i32
      %dma_start3A_45 = arith.constant 0 : i32
      %dma_start3A_46 = arith.constant 0 : i32
      %dma_start3A_47 = tpu.memref_slice %arg6[%dma_start3A_44, %dma_start3A_45, %dma_start3A_46] : memref<2x128x128xf32, #tpu.memory_space<vmem>> -> memref<1x128x128xf32, #tpu.memory_space<vmem>>
      %dma_start3A_48 = tpu.memref_squeeze %dma_start3A_47 : memref<1x128x128xf32, #tpu.memory_space<vmem>> -> memref<128x128xf32, #tpu.memory_space<vmem>>
      %dma_start3A_49 = arith.constant 0 : i32
      %dma_start3A_50 = tpu.memref_slice %arg4[%add3A_43, %dma_start3A_49] : memref<49152x128xf32, #tpu.memory_space<hbm>> -> memref<128x128xf32, #tpu.memory_space<hbm>>
      %dma_start3A_51 = arith.constant 0 : i32
      %dma_start3A_52 = tpu.memref_slice %arg4[%add3A_43, %dma_start3A_51] : memref<49152x128xf32, #tpu.memory_space<hbm>> -> memref<128x128xf32, #tpu.memory_space<hbm>>
      %dma_start3A_53 = arith.constant 0 : i32
      %dma_start3A_54 = arith.constant 0 : i32
      %dma_start3A_55 = tpu.memref_slice %arg6[%dma_start3A_44, %dma_start3A_53, %dma_start3A_54] : memref<2x128x128xf32, #tpu.memory_space<vmem>> -> memref<1x128x128xf32, #tpu.memory_space<vmem>>
      %dma_start3A_56 = tpu.memref_squeeze %dma_start3A_55 : memref<1x128x128xf32, #tpu.memory_space<vmem>> -> memref<128x128xf32, #tpu.memory_space<vmem>>
      tpu.enqueue_dma source(%dma_start3A_56 : memref<128x128xf32, #tpu.memory_space<vmem>>) target(%dma_start3A_52 : memref<128x128xf32, #tpu.memory_space<hbm>>) target_semaphore(%arg8 : memref<!tpu.dma_semaphore, #tpu.memory_space<semaphore_mem>>)
      %dma_wait3A_57 = arith.constant 0 : i32
      %dma_wait3A_58 = arith.constant 0 : i32
      %dma_wait3A_59 = arith.constant 0 : i32
      %dma_wait3A_60 = tpu.memref_slice %arg6[%dma_wait3A_57, %dma_wait3A_58, %dma_wait3A_59] : memref<2x128x128xf32, #tpu.memory_space<vmem>> -> memref<1x128x128xf32, #tpu.memory_space<vmem>>
      %dma_wait3A_61 = tpu.memref_squeeze %dma_wait3A_60 : memref<1x128x128xf32, #tpu.memory_space<vmem>> -> memref<128x128xf32, #tpu.memory_space<vmem>>
      %dma_wait3A_62 = arith.constant 0 : i32
      %dma_wait3A_63 = tpu.memref_slice %arg4[%add3A_43, %dma_wait3A_62] : memref<49152x128xf32, #tpu.memory_space<hbm>> -> memref<128x128xf32, #tpu.memory_space<hbm>>
      %dma_wait3A_64 = arith.constant 0 : i32
      %dma_wait3A_65 = tpu.memref_slice %arg4[%add3A_43, %dma_wait3A_64] : memref<49152x128xf32, #tpu.memory_space<hbm>> -> memref<128x128xf32, #tpu.memory_space<hbm>>
      %dma_wait3A_66 = arith.constant 0 : i32
      %dma_wait3A_67 = arith.constant 0 : i32
      %dma_wait3A_68 = tpu.memref_slice %arg6[%dma_wait3A_57, %dma_wait3A_66, %dma_wait3A_67] : memref<2x128x128xf32, #tpu.memory_space<vmem>> -> memref<1x128x128xf32, #tpu.memory_space<vmem>>
      %dma_wait3A_69 = tpu.memref_squeeze %dma_wait3A_68 : memref<1x128x128xf32, #tpu.memory_space<vmem>> -> memref<128x128xf32, #tpu.memory_space<vmem>>
      tpu.wait_dma2 semaphore(%arg8 : memref<!tpu.dma_semaphore, #tpu.memory_space<semaphore_mem>>) src(%dma_wait3A_69 : memref<128x128xf32, #tpu.memory_space<vmem>>) dst(%dma_wait3A_65 : memref<128x128xf32, #tpu.memory_space<hbm>>)
      %add3A_70 = arith.constant 2 : i32
      %add3A_71 = arith.addi %add3A_30, %add3A_70 : i32
      %lt3A = arith.constant 12 : i32
      %lt3A_72 = arith.cmpi slt, %add3A_71, %lt3A : i32
      %convert_element_type3A = arith.extui %lt3A_72 : i1 to i32
      %cond3A = arith.constant 0 : i32
      %cond3A_73 = arith.cmpi ne, %convert_element_type3A, %cond3A : i32
      scf.if %cond3A_73 {
        %add3A_123 = arith.constant 2 : i32
        %add3A_124 = arith.addi %add3A_30, %add3A_123 : i32
        %mul3A_125 = arith.constant 128 : i32
        %mul3A_126 = arith.muli %add3A_124, %mul3A_125 : i32
        %dma_start3A_127 = arith.constant 0 : i32
        %dma_start3A_128 = arith.constant 0 : i32
        %dma_start3A_129 = arith.constant 0 : i32
        %dma_start3A_130 = tpu.memref_slice %arg6[%dma_start3A_127, %dma_start3A_128, %dma_start3A_129] : memref<2x128x128xf32, #tpu.memory_space<vmem>> -> memref<1x128x128xf32, #tpu.memory_space<vmem>>
        %dma_start3A_131 = tpu.memref_squeeze %dma_start3A_130 : memref<1x128x128xf32, #tpu.memory_space<vmem>> -> memref<128x128xf32, #tpu.memory_space<vmem>>
        %dma_start3A_132 = tpu.memref_slice %arg5[%mul3A_126] : memref<1536xi32, #tpu.memory_space<vmem>> -> memref<128xi32, #tpu.memory_space<vmem>>
        %dma_start3A_133 = arith.constant 0 : i32
        %dma_start3A_134 = arith.constant 0 : i32
        %dma_start3A_135 = tpu.memref_slice %arg2[%dma_start3A_133, %dma_start3A_134] : memref<500000x128xf32, #tpu.memory_space<hbm>> -> memref<500000x128xf32, #tpu.memory_space<hbm>>
        tpu.enqueue_indirect_dma source(%dma_start3A_135 : memref<500000x128xf32, #tpu.memory_space<hbm>>) target(%dma_start3A_131 : memref<128x128xf32, #tpu.memory_space<vmem>>) offsets(%dma_start3A_132 : memref<128xi32, #tpu.memory_space<vmem>>) semaphore(%arg7 : memref<!tpu.dma_semaphore, #tpu.memory_space<semaphore_mem>>)
      } else {
      }
      %add3A_74 = arith.constant 1 : i32
      %add3A_75 = arith.addi %add3A_30, %add3A_74 : i32
      %mul3A_76 = arith.constant 128 : i32
      %mul3A_77 = arith.muli %add3A_75, %mul3A_76 : i32
      %dma_wait3A_78 = arith.constant 1 : i32
      %dma_wait3A_79 = arith.constant 0 : i32
      %dma_wait3A_80 = arith.constant 0 : i32
      %dma_wait3A_81 = tpu.memref_slice %arg6[%dma_wait3A_78, %dma_wait3A_79, %dma_wait3A_80] : memref<2x128x128xf32, #tpu.memory_space<vmem>> -> memref<1x128x128xf32, #tpu.memory_space<vmem>>
      %dma_wait3A_82 = tpu.memref_squeeze %dma_wait3A_81 : memref<1x128x128xf32, #tpu.memory_space<vmem>> -> memref<128x128xf32, #tpu.memory_space<vmem>>
      %dma_wait3A_83 = tpu.memref_slice %arg5[%mul3A_77] : memref<1536xi32, #tpu.memory_space<vmem>> -> memref<128xi32, #tpu.memory_space<vmem>>
      %dma_wait3A_84 = arith.constant 0 : i32
      %dma_wait3A_85 = arith.constant 0 : i32
      %dma_wait3A_86 = tpu.memref_slice %arg2[%dma_wait3A_84, %dma_wait3A_85] : memref<500000x128xf32, #tpu.memory_space<hbm>> -> memref<500000x128xf32, #tpu.memory_space<hbm>>
      tpu.wait_indirect_dma semaphore(%arg7 : memref<!tpu.dma_semaphore, #tpu.memory_space<semaphore_mem>>) src(%dma_wait3A_86 : memref<500000x128xf32, #tpu.memory_space<hbm>>) dst(%dma_wait3A_82 : memref<128x128xf32, #tpu.memory_space<vmem>>)
      %mul3A_87 = arith.constant 128 : i32
      %mul3A_88 = arith.muli %add3A_75, %mul3A_87 : i32
      %add3A_89 = arith.addi %mul3A_2, %mul3A_88 : i32
      %dma_start3A_90 = arith.constant 1 : i32
      %dma_start3A_91 = arith.constant 0 : i32
      %dma_start3A_92 = arith.constant 0 : i32
      %dma_start3A_93 = tpu.memref_slice %arg6[%dma_start3A_90, %dma_start3A_91, %dma_start3A_92] : memref<2x128x128xf32, #tpu.memory_space<vmem>> -> memref<1x128x128xf32, #tpu.memory_space<vmem>>
      %dma_start3A_94 = tpu.memref_squeeze %dma_start3A_93 : memref<1x128x128xf32, #tpu.memory_space<vmem>> -> memref<128x128xf32, #tpu.memory_space<vmem>>
      %dma_start3A_95 = arith.constant 0 : i32
      %dma_start3A_96 = tpu.memref_slice %arg4[%add3A_89, %dma_start3A_95] : memref<49152x128xf32, #tpu.memory_space<hbm>> -> memref<128x128xf32, #tpu.memory_space<hbm>>
      %dma_start3A_97 = arith.constant 0 : i32
      %dma_start3A_98 = tpu.memref_slice %arg4[%add3A_89, %dma_start3A_97] : memref<49152x128xf32, #tpu.memory_space<hbm>> -> memref<128x128xf32, #tpu.memory_space<hbm>>
      %dma_start3A_99 = arith.constant 0 : i32
      %dma_start3A_100 = arith.constant 0 : i32
      %dma_start3A_101 = tpu.memref_slice %arg6[%dma_start3A_90, %dma_start3A_99, %dma_start3A_100] : memref<2x128x128xf32, #tpu.memory_space<vmem>> -> memref<1x128x128xf32, #tpu.memory_space<vmem>>
      %dma_start3A_102 = tpu.memref_squeeze %dma_start3A_101 : memref<1x128x128xf32, #tpu.memory_space<vmem>> -> memref<128x128xf32, #tpu.memory_space<vmem>>
      tpu.enqueue_dma source(%dma_start3A_102 : memref<128x128xf32, #tpu.memory_space<vmem>>) target(%dma_start3A_98 : memref<128x128xf32, #tpu.memory_space<hbm>>) target_semaphore(%arg8 : memref<!tpu.dma_semaphore, #tpu.memory_space<semaphore_mem>>)
      %dma_wait3A_103 = arith.constant 1 : i32
      %dma_wait3A_104 = arith.constant 0 : i32
      %dma_wait3A_105 = arith.constant 0 : i32
      %dma_wait3A_106 = tpu.memref_slice %arg6[%dma_wait3A_103, %dma_wait3A_104, %dma_wait3A_105] : memref<2x128x128xf32, #tpu.memory_space<vmem>> -> memref<1x128x128xf32, #tpu.memory_space<vmem>>
      %dma_wait3A_107 = tpu.memref_squeeze %dma_wait3A_106 : memref<1x128x128xf32, #tpu.memory_space<vmem>> -> memref<128x128xf32, #tpu.memory_space<vmem>>
      %dma_wait3A_108 = arith.constant 0 : i32
      %dma_wait3A_109 = tpu.memref_slice %arg4[%add3A_89, %dma_wait3A_108] : memref<49152x128xf32, #tpu.memory_space<hbm>> -> memref<128x128xf32, #tpu.memory_space<hbm>>
      %dma_wait3A_110 = arith.constant 0 : i32
      %dma_wait3A_111 = tpu.memref_slice %arg4[%add3A_89, %dma_wait3A_110] : memref<49152x128xf32, #tpu.memory_space<hbm>> -> memref<128x128xf32, #tpu.memory_space<hbm>>
      %dma_wait3A_112 = arith.constant 0 : i32
      %dma_wait3A_113 = arith.constant 0 : i32
      %dma_wait3A_114 = tpu.memref_slice %arg6[%dma_wait3A_103, %dma_wait3A_112, %dma_wait3A_113] : memref<2x128x128xf32, #tpu.memory_space<vmem>> -> memref<1x128x128xf32, #tpu.memory_space<vmem>>
      %dma_wait3A_115 = tpu.memref_squeeze %dma_wait3A_114 : memref<1x128x128xf32, #tpu.memory_space<vmem>> -> memref<128x128xf32, #tpu.memory_space<vmem>>
      tpu.wait_dma2 semaphore(%arg8 : memref<!tpu.dma_semaphore, #tpu.memory_space<semaphore_mem>>) src(%dma_wait3A_115 : memref<128x128xf32, #tpu.memory_space<vmem>>) dst(%dma_wait3A_111 : memref<128x128xf32, #tpu.memory_space<hbm>>)
      %add3A_116 = arith.constant 2 : i32
      %add3A_117 = arith.addi %add3A_75, %add3A_116 : i32
      %lt3A_118 = arith.constant 12 : i32
      %lt3A_119 = arith.cmpi slt, %add3A_117, %lt3A_118 : i32
      %convert_element_type3A_120 = arith.extui %lt3A_119 : i1 to i32
      %cond3A_121 = arith.constant 0 : i32
      %cond3A_122 = arith.cmpi ne, %convert_element_type3A_120, %cond3A_121 : i32
      scf.if %cond3A_122 {
        %add3A_123 = arith.constant 2 : i32
        %add3A_124 = arith.addi %add3A_75, %add3A_123 : i32
        %mul3A_125 = arith.constant 128 : i32
        %mul3A_126 = arith.muli %add3A_124, %mul3A_125 : i32
        %dma_start3A_127 = arith.constant 1 : i32
        %dma_start3A_128 = arith.constant 0 : i32
        %dma_start3A_129 = arith.constant 0 : i32
        %dma_start3A_130 = tpu.memref_slice %arg6[%dma_start3A_127, %dma_start3A_128, %dma_start3A_129] : memref<2x128x128xf32, #tpu.memory_space<vmem>> -> memref<1x128x128xf32, #tpu.memory_space<vmem>>
        %dma_start3A_131 = tpu.memref_squeeze %dma_start3A_130 : memref<1x128x128xf32, #tpu.memory_space<vmem>> -> memref<128x128xf32, #tpu.memory_space<vmem>>
        %dma_start3A_132 = tpu.memref_slice %arg5[%mul3A_126] : memref<1536xi32, #tpu.memory_space<vmem>> -> memref<128xi32, #tpu.memory_space<vmem>>
        %dma_start3A_133 = arith.constant 0 : i32
        %dma_start3A_134 = arith.constant 0 : i32
        %dma_start3A_135 = tpu.memref_slice %arg2[%dma_start3A_133, %dma_start3A_134] : memref<500000x128xf32, #tpu.memory_space<hbm>> -> memref<500000x128xf32, #tpu.memory_space<hbm>>
        tpu.enqueue_indirect_dma source(%dma_start3A_135 : memref<500000x128xf32, #tpu.memory_space<hbm>>) target(%dma_start3A_131 : memref<128x128xf32, #tpu.memory_space<vmem>>) offsets(%dma_start3A_132 : memref<128xi32, #tpu.memory_space<vmem>>) semaphore(%arg7 : memref<!tpu.dma_semaphore, #tpu.memory_space<semaphore_mem>>)
      } else {
      }
    }
    %scan3A_25 = arith.constant 6 : i32
    return
  }
}

module attributes {stable_mosaic.version = 14 : i64} {
  func.func @_mlp_body(%arg0: i32, %arg1: memref<2048x128xf32, #tpu.memory_space<vmem>>, %arg2: memref<2048x128xf32, #tpu.memory_space<vmem>>, %arg3: memref<128x128xf32, #tpu.memory_space<vmem>>, %arg4: memref<1x128xf32, #tpu.memory_space<vmem>>, %arg5: memref<1x128xf32, #tpu.memory_space<vmem>>, %arg6: memref<1x128xf32, #tpu.memory_space<vmem>>, %arg7: memref<1x128xf32, #tpu.memory_space<vmem>>, %arg8: memref<1x128xf32, #tpu.memory_space<vmem>>, %arg9: memref<128x128xf32, #tpu.memory_space<vmem>>, %arg10: memref<1x128xf32, #tpu.memory_space<vmem>>, %arg11: memref<2048x128xf32, #tpu.memory_space<vmem>>) attributes {dimension_semantics = [#tpu.dimension_semantics<arbitrary>], iteration_bounds = array<i64: 24>, scalar_prefetch = 0 : i64, scratch_operands = 0 : i64, tpu.core_type = #tpu.core_type<tc>, window_params = [{transform_indices = @transform_0, window_bounds = array<i64: 2048, 128>}, {transform_indices = @transform_1, window_bounds = array<i64: 2048, 128>}, {pipeline_mode = #tpu.pipeline_mode<synchronous>, transform_indices = @transform_2, window_bounds = array<i64: 128, 128>}, {pipeline_mode = #tpu.pipeline_mode<synchronous>, transform_indices = @transform_3, window_bounds = array<i64: 1, 128>}, {pipeline_mode = #tpu.pipeline_mode<synchronous>, transform_indices = @transform_4, window_bounds = array<i64: 1, 128>}, {pipeline_mode = #tpu.pipeline_mode<synchronous>, transform_indices = @transform_5, window_bounds = array<i64: 1, 128>}, {pipeline_mode = #tpu.pipeline_mode<synchronous>, transform_indices = @transform_6, window_bounds = array<i64: 1, 128>}, {pipeline_mode = #tpu.pipeline_mode<synchronous>, transform_indices = @transform_7, window_bounds = array<i64: 1, 128>}, {pipeline_mode = #tpu.pipeline_mode<synchronous>, transform_indices = @transform_8, window_bounds = array<i64: 128, 128>}, {pipeline_mode = #tpu.pipeline_mode<synchronous>, transform_indices = @transform_9, window_bounds = array<i64: 1, 128>}, {transform_indices = @transform_10, window_bounds = array<i64: 2048, 128>}]} {
    %get3A = arith.constant 0 : index
    %get3A_0 = arith.constant 0 : index
    %get3A_1 = vector.load %arg1[%get3A, %get3A_0] : memref<2048x128xf32, #tpu.memory_space<vmem>>, vector<2048x128xf32>
    %get3A_2 = arith.constant 0 : index
    %get3A_3 = arith.constant 0 : index
    %get3A_4 = vector.load %arg2[%get3A_2, %get3A_3] : memref<2048x128xf32, #tpu.memory_space<vmem>>, vector<2048x128xf32>
    %mul3A = arith.mulf %get3A_1, %get3A_4 : vector<2048x128xf32>
    %get3A_5 = arith.constant 0 : index
    %get3A_6 = arith.constant 0 : index
    %get3A_7 = vector.load %arg3[%get3A_5, %get3A_6] : memref<128x128xf32, #tpu.memory_space<vmem>>, vector<128x128xf32>
    %dot_general3A = arith.constant dense<0.000000e+00> : vector<2048x128xf32>
    %dot_general3A_8 = tpu.matmul %mul3A, %get3A_7, %dot_general3A {dimension_numbers = #tpu.dot_dimension_numbers<[1], [0], [0], [1], [0, 0, 1, 1], [], []>, transpose_lhs_hint = false} : vector<2048x128xf32>, vector<128x128xf32>, vector<2048x128xf32> -> vector<2048x128xf32>
    %get3A_9 = arith.constant 0 : index
    %get3A_10 = arith.constant 0 : index
    %get3A_11 = vector.load %arg4[%get3A_9, %get3A_10] : memref<1x128xf32, #tpu.memory_space<vmem>>, vector<1x128xf32>
    %add3A = vector.broadcast %get3A_11 : vector<1x128xf32> to vector<2048x128xf32>
    %add3A_12 = arith.addf %dot_general3A_8, %add3A : vector<2048x128xf32>
    %max3A = arith.constant 0.000000e+00 : f32
    %max3A_13 = vector.broadcast %max3A : f32 to vector<2048x128xf32>
    %max3A_14 = arith.maximumf %add3A_12, %max3A_13 : vector<2048x128xf32>
    %get3A_15 = arith.constant 0 : index
    %get3A_16 = arith.constant 0 : index
    %get3A_17 = vector.load %arg5[%get3A_15, %get3A_16] : memref<1x128xf32, #tpu.memory_space<vmem>>, vector<1x128xf32>
    %get3A_18 = arith.constant 0 : index
    %get3A_19 = arith.constant 0 : index
    %get3A_20 = vector.load %arg8[%get3A_18, %get3A_19] : memref<1x128xf32, #tpu.memory_space<vmem>>, vector<1x128xf32>
    %add3A_21 = arith.constant 1.000000e-03 : f32
    %add3A_22 = vector.broadcast %add3A_21 : f32 to vector<1x128xf32>
    %add3A_23 = arith.addf %get3A_20, %add3A_22 : vector<1x128xf32>
    %rsqrt3A = math.rsqrt %add3A_23 : vector<1x128xf32>
    %mul3A_24 = arith.mulf %get3A_17, %rsqrt3A : vector<1x128xf32>
    %get3A_25 = arith.constant 0 : index
    %get3A_26 = arith.constant 0 : index
    %get3A_27 = vector.load %arg6[%get3A_25, %get3A_26] : memref<1x128xf32, #tpu.memory_space<vmem>>, vector<1x128xf32>
    %get3A_28 = arith.constant 0 : index
    %get3A_29 = arith.constant 0 : index
    %get3A_30 = vector.load %arg7[%get3A_28, %get3A_29] : memref<1x128xf32, #tpu.memory_space<vmem>>, vector<1x128xf32>
    %mul3A_31 = arith.mulf %mul3A_24, %get3A_30 : vector<1x128xf32>
    %sub3A = arith.subf %get3A_27, %mul3A_31 : vector<1x128xf32>
    %mul3A_32 = vector.broadcast %mul3A_24 : vector<1x128xf32> to vector<2048x128xf32>
    %mul3A_33 = arith.mulf %max3A_14, %mul3A_32 : vector<2048x128xf32>
    %add3A_34 = vector.broadcast %sub3A : vector<1x128xf32> to vector<2048x128xf32>
    %add3A_35 = arith.addf %mul3A_33, %add3A_34 : vector<2048x128xf32>
    %get3A_36 = arith.constant 0 : index
    %get3A_37 = arith.constant 0 : index
    %get3A_38 = vector.load %arg9[%get3A_36, %get3A_37] : memref<128x128xf32, #tpu.memory_space<vmem>>, vector<128x128xf32>
    %dot_general3A_39 = arith.constant dense<0.000000e+00> : vector<2048x128xf32>
    %dot_general3A_40 = tpu.matmul %add3A_35, %get3A_38, %dot_general3A_39 {dimension_numbers = #tpu.dot_dimension_numbers<[1], [0], [0], [1], [0, 0, 1, 1], [], []>, transpose_lhs_hint = false} : vector<2048x128xf32>, vector<128x128xf32>, vector<2048x128xf32> -> vector<2048x128xf32>
    %get3A_41 = arith.constant 0 : index
    %get3A_42 = arith.constant 0 : index
    %get3A_43 = vector.load %arg10[%get3A_41, %get3A_42] : memref<1x128xf32, #tpu.memory_space<vmem>>, vector<1x128xf32>
    %add3A_44 = vector.broadcast %get3A_43 : vector<1x128xf32> to vector<2048x128xf32>
    %add3A_45 = arith.addf %dot_general3A_40, %add3A_44 : vector<2048x128xf32>
    %swap3A = arith.constant 0 : index
    %swap3A_46 = arith.constant 0 : index
    %swap3A_47 = vector.load %arg11[%swap3A, %swap3A_46] : memref<2048x128xf32, #tpu.memory_space<vmem>>, vector<2048x128xf32>
    tpu.vector_store %arg11[%swap3A, %swap3A_46], %add3A_45 {strides = array<i32>} : memref<2048x128xf32, #tpu.memory_space<vmem>>, vector<2048x128xf32>,
    return
  }
  func.func @transform_0(%arg0: i32) -> (i32, i32) {
    %c0_i32 = arith.constant 0 : i32
    %c0_i32_0 = arith.constant 0 : i32
    return %arg0, %c0_i32 : i32, i32
  }
  func.func @transform_1(%arg0: i32) -> (i32, i32) {
    %c0_i32 = arith.constant 0 : i32
    %c0_i32_0 = arith.constant 0 : i32
    return %arg0, %c0_i32 : i32, i32
  }
  func.func @transform_2(%arg0: i32) -> (i32, i32) {
    %c0_i32 = arith.constant 0 : i32
    %c0_i32_0 = arith.constant 0 : i32
    %c0_i32_1 = arith.constant 0 : i32
    return %c0_i32, %c0_i32_0 : i32, i32
  }
  func.func @transform_3(%arg0: i32) -> (i32, i32) {
    %c0_i32 = arith.constant 0 : i32
    %c0_i32_0 = arith.constant 0 : i32
    %c0_i32_1 = arith.constant 0 : i32
    return %c0_i32, %c0_i32_0 : i32, i32
  }
  func.func @transform_4(%arg0: i32) -> (i32, i32) {
    %c0_i32 = arith.constant 0 : i32
    %c0_i32_0 = arith.constant 0 : i32
    %c0_i32_1 = arith.constant 0 : i32
    return %c0_i32, %c0_i32_0 : i32, i32
  }
  func.func @transform_5(%arg0: i32) -> (i32, i32) {
    %c0_i32 = arith.constant 0 : i32
    %c0_i32_0 = arith.constant 0 : i32
    %c0_i32_1 = arith.constant 0 : i32
    return %c0_i32, %c0_i32_0 : i32, i32
  }
  func.func @transform_6(%arg0: i32) -> (i32, i32) {
    %c0_i32 = arith.constant 0 : i32
    %c0_i32_0 = arith.constant 0 : i32
    %c0_i32_1 = arith.constant 0 : i32
    return %c0_i32, %c0_i32_0 : i32, i32
  }
  func.func @transform_7(%arg0: i32) -> (i32, i32) {
    %c0_i32 = arith.constant 0 : i32
    %c0_i32_0 = arith.constant 0 : i32
    %c0_i32_1 = arith.constant 0 : i32
    return %c0_i32, %c0_i32_0 : i32, i32
  }
  func.func @transform_8(%arg0: i32) -> (i32, i32) {
    %c0_i32 = arith.constant 0 : i32
    %c0_i32_0 = arith.constant 0 : i32
    %c0_i32_1 = arith.constant 0 : i32
    return %c0_i32, %c0_i32_0 : i32, i32
  }
  func.func @transform_9(%arg0: i32) -> (i32, i32) {
    %c0_i32 = arith.constant 0 : i32
    %c0_i32_0 = arith.constant 0 : i32
    %c0_i32_1 = arith.constant 0 : i32
    return %c0_i32, %c0_i32_0 : i32, i32
  }
  func.func @transform_10(%arg0: i32) -> (i32, i32) {
    %c0_i32 = arith.constant 0 : i32
    %c0_i32_0 = arith.constant 0 : i32
    return %arg0, %c0_i32 : i32, i32
  }
}

</mosaic_0001>

<sc_bundles>
// kernel: kernel.4.cloned.1.call-start
scs
__scs_entry_jumppad:
0x0: {  	(pc) =	sbr.rel $0x88, $3  }
0x1: {  	(tag) =	ssettag $0x0;
	lr =	simm.s32 $0x1  }
0x2: {  	[smem:$0x3F95] =	sst lr;
	_ =	strace $0xD0000000  }
0x3: {  	_ = 	snop  }
0x4: {  	_ = 	snop  }
0x5: {  	_ = 	snop  }
0x6: {  	_ = 	snop  }
0x7: {  	_ = 	snop  }
__scs_overlays_trampoline_lowered:
0x8: {  	[smem:$0x3FA4] =	sst s0  }
0x9: {  	[smem:$0x3FA5] =	sst s1  }
0xa: {  	[smem:$0x3FA6] =	sst s2  }
0xb: {  	[smem:$0x3FA7] =	sst s3  }
0xc: {  	[smem:$0x3FA8] =	sst s4  }
0xd: {  	[smem:$0x3FA9] =	sst s5  }
0xe: {  	[smem:$0x3FAA] =	sst s6  }
0xf: {  	[smem:$0x3FAB] =	sst s7  }
0x10: {  	[smem:$0x3FAC] =	sst s8  }
0x11: {  	[smem:$0x3FAD] =	sst s9;
	s0 =	simm.s32 @!p0 $0x0  }
0x12: {  	s1 =	sld [smem:$0x3F93];
	s0 =	simm.s32 @p0 $0x1  }
0x13: {  	[smem:$0x3FAE] =	sst s0;
	s0 =	simm.s32 @!p1 $0x0  }
0x14: {  	s2 =	sld [smem:$0x3F92];
	s0 =	simm.s32 @p1 $0x1  }
0x15: {  	[smem:$0x3FAF] =	sst s0;
	s0 =	simm.s32 @!p2 $0x0  }
0x16: {  	s3 =	sld [smem:$0x3FDB];
	s0 =	simm.s32 @p2 $0x1  }
0x17: {  	s4 =	simm.s32 $0x1BF5;
	[smem:$0x3FB1] =	sst s0  }
0x18: {  	s0 =	sld [smem:$0x3F94];
	_ =	swait.ge [sflag:s4], $0x0  }
0x19: {  	s7 =	sld [smem:$0x3F95]  }
0x1a: {  	s8 =	sadd.s32 $0xFFFFE003, lr  }
0x1b: {  	s9 =	sadd.s32 $0xFFFFFEF7, lr;
	s5 =	simm.s32 $0xFFFFFFFF;
	p2 =	slt.u32 s8, $0xFFFFF086  }
0x1c: {  	p1 =	slt.u32 s9, $0xF7A;
	s5 =	simm.s32 @!p2 $0x0  }
0x1d: {  	s5 =	simm.s32 @p1 $0x1;
	p0 =	seq.s32 s7, s2  }
0x1e: {  	s7 =	smul.u32 @!p0 $0xF7A, s2;
	p2 =	seq.s32 @!p0 s5, $0x0  }
0x1f: {  	s9 =	smul.u32 $0xF7A, s1;
	s8 =	simm.s32 @!p0 $0x1BF5;
	p2 =	por !p2, p0  }
0x20: {  	[sflag:s8] =	ssyncset.s32 @!p0 $0xFFFFF086;
	s6 =	sadd.s32 @!p0 s3, s7;
	s7 =	simm.s32 @!p0 $0x108  }
0x21: {  	s3 =	sadd.s32 s3, s9;
	s6 =	sadd.s32 @!p0 $0x88, s6;
	s7 =	simm.s32 @p2 $0x1082  }
0x22: {  	[simem:s7], [sflag:s8] =	dma.local @!p0 [hbm:s6], $0xF7A  }
0x23: {  	s9 =	sor.u32 $0xD0000000, s2;
	s6 =	simm.s32 $0x108;
	_ =	swait.ge @!p0 [sflag:s8], $0x0  }
0x24: {  	s3 =	sadd.s32 $0x88, s3;
	s6 =	simm.s32 @!p1 $0x1082;
	[sflag:s4] =	ssyncset.s32 $0xFFFFF086  }
0x25: {  	[simem:s6], [sflag:s4] =	dma.local [hbm:s3], $0xF7A  }
0x26: {  	[smem:$0x3F95] =	sst s1;
	(tag) =	ssettag s2;
	_ =	strace s9  }
0x27: {  	s1 =	sld [smem:$0x3FA5]  }
0x28: {  	s2 =	sld [smem:$0x3FA6]  }
0x29: {  	s4 =	sld [smem:$0x3FA8]  }
0x2a: {  	p0 =	seq.s32 s5, $0x0;
	s5 =	sld [smem:$0x3FA9]  }
0x2b: {  	s6 =	sld [smem:$0x3FAA]  }
0x2c: {  	s7 =	sld [smem:$0x3FAB]  }
0x2d: {  	s3 =	simm.s32 $0x108;
	s8 =	sld [smem:$0x3FAC]  }
0x2e: {  	s3 =	simm.s32 @!p0 $0x1082;
	s9 =	sld [smem:$0x3FAD]  }
0x2f: {  	lr =	sadd.s32 s0, s3;
	s0 =	sld [smem:$0x3FA4]  }
0x30: {  	s3 =	sld [smem:$0x3FA7]  }
0x31: {  	[smem:$0x3FB0] =	sst s10  }
0x32: {  	s10 =	sld [smem:$0x3FAE];
	_ =	sdelay $0x3  }
0x33: {  	p0 =	seq.s32 s10, $0x1;
	s10 =	sld [smem:$0x3FB0];
	_ =	sdelay $0x3  }
0x34: {  	[smem:$0x3FB0] =	sst s10  }
0x35: {  	s10 =	sld [smem:$0x3FAF];
	_ =	sdelay $0x3  }
0x36: {  	p1 =	seq.s32 s10, $0x1;
	s10 =	sld [smem:$0x3FB0];
	_ =	sdelay $0x3  }
0x37: {  	[smem:$0x3FB0] =	sst s10  }
0x38: {  	s10 =	sld [smem:$0x3FB1]  }
0x39: {  	_ = 	snop;
	(pc) =	sbr.ind lr, $3  }
0x3a: {  	_ = 	snop  }
0x3b: {  	_ = 	snop  }
0x3c: {  	p2 =	seq.s32 s10, $0x1;
	s10 =	sld [smem:$0x3FB0]  }
0x3d: {  	_ =	shalt  }
0x3e: {  	_ =	shalt  }
0x3f: {  	_ =	shalt  }
0x40: {  	_ =	shalt  }
0x41: {  	_ =	shalt  }
0x42: {  	_ =	shalt  }
0x43: {  	_ =	shalt  }
0x44: {  	_ =	shalt  }
0x45: {  	_ =	shalt  }
0x46: {  	_ =	shalt  }
0x47: {  	_ =	shalt  }
0x48: {  	_ =	shalt  }
0x49: {  	_ =	shalt  }
0x4a: {  	_ =	shalt  }
0x4b: {  	_ =	shalt  }
0x4c: {  	_ =	shalt  }
0x4d: {  	_ =	shalt  }
0x4e: {  	_ =	shalt  }
0x4f: {  	_ =	shalt  }
0x50: {  	_ =	shalt  }
0x51: {  	_ =	shalt  }
0x52: {  	_ =	shalt  }
0x53: {  	_ =	shalt  }
0x54: {  	_ =	shalt  }
0x55: {  	_ =	shalt  }
0x56: {  	_ =	shalt  }
0x57: {  	_ =	shalt  }
0x58: {  	_ =	shalt  }
0x59: {  	_ =	shalt  }
0x5a: {  	_ =	shalt  }
0x5b: {  	_ =	shalt  }
0x5c: {  	_ =	shalt  }
0x5d: {  	_ =	shalt  }
0x5e: {  	_ =	shalt  }
0x5f: {  	_ =	shalt  }
0x60: {  	_ =	shalt  }
0x61: {  	_ =	shalt  }
0x62: {  	_ =	shalt  }
0x63: {  	_ =	shalt  }
0x64: {  	_ =	shalt  }
0x65: {  	_ =	shalt  }
0x66: {  	_ =	shalt  }
0x67: {  	_ =	shalt  }
0x68: {  	_ =	shalt  }
0x69: {  	_ =	shalt  }
0x6a: {  	_ =	shalt  }
0x6b: {  	_ =	shalt  }
0x6c: {  	_ =	shalt  }
0x6d: {  	_ =	shalt  }
0x6e: {  	_ =	shalt  }
0x6f: {  	_ =	shalt  }
0x70: {  	_ =	shalt  }
0x71: {  	_ =	shalt  }
0x72: {  	_ =	shalt  }
0x73: {  	_ =	shalt  }
0x74: {  	_ =	shalt  }
0x75: {  	_ =	shalt  }
0x76: {  	_ =	shalt  }
0x77: {  	_ =	shalt  }
0x78: {  	_ =	shalt  }
0x79: {  	_ =	shalt  }
0x7a: {  	_ =	shalt  }
0x7b: {  	_ =	shalt  }
0x7c: {  	_ =	shalt  }
0x7d: {  	_ =	shalt  }
0x7e: {  	_ =	shalt  }
0x7f: {  	_ =	shalt  }
0x80: {  	_ =	shalt  }
0x81: {  	_ =	shalt  }
0x82: {  	_ =	shalt  }
0x83: {  	_ =	shalt  }
0x84: {  	_ =	shalt  }
0x85: {  	_ =	shalt  }
0x86: {  	_ =	shalt  }
0x87: {  	_ =	shalt  }
.Lfunc_end0:
.L_simem_size_0:
called_computation_lowered:
.L_overlay_start_0:
0x88: {  	s2 =	sld [smem:$0x3FD9]  }
0x89: {  	s3 =	sld [smem:$0x3FFE];
	_ =	sdelay $0x1  }
0x8a: {  	s1 =	srdreg.scid  }
0x8b: {  	s0 =	sand.u32 $0x1, s1  }
0x8c: {  	s14 =	sshll.u32 s0, $0xA;
	s2 =	sadd.s32 s3, s2  }
0x8d: {  	s2 =	sadd.s32 s2, s14  }
0x8e: {  	[smem:$0x3FBC] =	sst s2  }
0x8f: {  	_ = 	snop  }
0x90: {  	s2 =	sld [smem:$0x3FD0];
	_ =	sdelay $0x2  }
0x91: {  	s15 =	simm.s32 $0xA;
	s4 =	simm.s32 $0x10  }
0x92: {  	[smem:s4], [sflag:s15] =	dma.local [hbm:s2], $0x1  }
0x93: {  	_ =	swait.eq [sflag:s15], $0x1  }
0x94: {  	[sflag:s15] =	ssyncset.done $0x0  }
0x95: {  	[sflag:s15] =	ssyncadd.s32 $0xFFFFFFFF  }
0x96: {  	s16 =	sld [smem:$0x10];
	(tm) =	ssettm $0x1  }
0x97: {  	s17 =	sld [smem:$0x3FFB];
	_ =	sdelay $0x3  }
0x98: {  	_ =	strace s17  }
0x99: {  	s3 =	sld [smem:$0x3FFC];
	_ =	sdelay $0x3  }
0x9a: {  	_ =	strace s3  }
0x9b: {  	s3 =	sld [smem:$0x3FFD];
	_ =	sdelay $0x3  }
0x9c: {  	_ =	strace s3  }
0x9d: {  	_ =	strace $0x8FFFFFFF  }
0x9e: {  	s18 =	sld [smem:$0x3FDB];
	_ =	sdelay $0x1  }
0x9f: {  	s19 =	simm.s32 $_scs_section_size  }
0xa0: {  	s5 =	simm.s32 $_size__tile_overlayer_lowered;
	s6 =	simm.s32 $_tile_overlayer_lowered  }
0xa1: {  	s22 =	simm.s32 $0x1BFF;
	s21 =	sshll.u32 s6, $0x1;
	s3 =	sadd.s32 s19, s18  }
0xa2: {  	s7 =	simm.s32 $0x0;
	s20 =	sshll.u32 s5, $0x1;
	s5 =	sadd.s32 s21, s3  }
0xa3: {  	[timem:s7], [sflag:s22] =	dma.local [hbm:s5], s20  }
0xa4: {  	_ =	swait.ge [sflag:s22], s20  }
0xa5: {  	s4 =	ssub.s32 $0x0, s20;
	[sflag:s22] =	ssyncset.done $0x0  }
0xa6: {  	[sflag:s22] =	ssyncadd.s32 s4;
	_ =	sdelay $0x1  }
0xa7: {  	s23 =	simm.s32 $0x1B8B  }
0xa8: {  	_ =	swait.ge [sflag:s23], $0x1  }
0xa9: {  	[sflag:s23] =	ssyncset.done $0x0  }
0xaa: {  	s25 =	simm.s32 $0x1B8E;
	s24 =	sld [smem:$0x3FFE];
	[sflag:s23] =	ssyncadd.s32 $0xFFFFFFFF  }
0xab: {  	s26 =	simm.s32 $execute0_lowered;
	[smem:$0x3FD2] =	sst s25  }
0xac: {  	s5 =	sshll.u32 s26, $0x1;
	_ =	strace $0x80000046;
	[dreg:$0x1] =	wrdreg $0xFFFFFFFF  }
0xad: {  	s28 =	simm.s32 $_size_execute0_lowered;
	s3 =	sadd.s32 s3, s5;
	[dreg:$0x0] =	wrdreg $0x0  }
0xae: {  	s5 =	sshll.u32 s28, $0x1;
	[dreg:$0x2] =	wrdreg s3  }
0xaf: {  	[dreg:$0x3] =	wrdreg s5  }
0xb0: {  	[dreg:$0x4] =	wrdreg $0xC0  }
0xb1: {  	_ =	task [dreg:s7], $0x5FFFF  }
0xb2: {  	[dreg:$0x1] =	wrdreg $0xFFFFFFFF  }
0xb3: {  	[dreg:$0x0] =	wrdreg $0x60  }
0xb4: {  	[dreg:$0x2] =	wrdreg s24  }
0xb5: {  	[dreg:$0x3] =	wrdreg s16  }
0xb6: {  	[dreg:$0x4] =	wrdreg $0x9  }
0xb7: {  	_ =	task.clear_ibuf [dreg:s7], $0x5FFFF;
	_ =	strace $0x90000046  }
0xb8: {  	s29 =	simm.s32 $0x9;
	_ =	strace $0x80000048  }
0xb9: {  	_ =	swait.ge [sflag:s29], $0x1  }
0xba: {  	[sflag:s29] =	ssyncadd.s32 $0xFFFFFFFF  }
0xbb: {  	_ =	strace $0x90000048  }
0xbc: {  	_ =	sfence  }
0xbd: {  	s30 =	sld [smem:$0x0];
	_ =	sdelay $0x2  }
0xbe: {  	s31 =	sshll.u32 s1, $0xD;
	s1 =	sshrl.u32 s1, $0x2  }
0xbf: {  	s3 =	sand.u32 $0x4000, s31;
	s1 =	sadd.s32 s1, s30  }
0xc0: {  	s0 =	sor.u32 s3, s0;
	s1 =	sshll.u32 s1, $0x11  }
0xc1: {  	s0 =	sor.u32 s1, s0  }
0xc2: {  	s0 =	sadd.s32 $0x8F2B, s0  }
0xc3: {  	[sflag:s0] =	ssyncadd.remote.s32 $0x1  }
0xc4: {  	_ =	sfence.sel $0xFFFF  }
0xc5: {  	[dreg:$0x0] =	wrdreg $0xFFFFFFFF;
	(pc) =	sbr.abs _section_cstart, $3  }
0xc6: {  	[dreg:$0x1] =	wrdreg $0xFFFFFFFF  }
0xc7: {  	_ =	task.clear_ibuf [dreg:s7], $0x2FFFF;
	_ =	strace $0x9FFFFFFF  }
0xc8: {  	(tm) =	ssettm $0x7FFFFFFF  }
0xc9: {  	_ =	shalt  }
tec
execute0_lowered:
.L_overlay_start_1:
0x0: {  	(tag) =	ssettag $0x1  }
0x1: {  	s1 =	srdreg.scid;
	s0 =	stileid.u32  }
0x2: {  	s1 =	sand.u32 $0x1, s1;
	s2 =	sshll.u32 s0, $0x1;
	s23 =	sshrl.u32 s0, $0x2  }
0x3: {  	s8 =	sor.u32 s1, s2;
	s3 =	smul.u32 $0x3000, s23  }
0x4: {  	s6 =	rddreg [dreg:$0x0];
	s24 =	sshll.u32 s8, $0x7;
	s25 =	smul.u32 $0x6000, s8  }
0x5: {  	s4 =	rddreg [dreg:$0x1];
	s10 =	sadd.s32 $0x2000, s6;
	s5 =	sand.u32 $0x380, s24  }
0x6: {  	s2 =	simm.s32 $0x0;
	s3 =	sor.u32 s3, s5;
	s31 =	sadd.s32 s10, s25  }
0x7: {  	[smem:$0x7FF] =	sst s2;
	s3 =	sshrl.u32 s3, $0x3;
	s26 =	sadd.s32 $0x800, s31  }
0x8: {  	_ =	strace $0x80000047;
	s3 =	sadd.s32 s4, s3;
	[dreg:$0x4] =	wrdreg s26  }
0x9: {  	s5 =	simm.s32 $0x3;
	[dreg:$0x3] =	wrdreg s3  }
0xa: {  	s4 =	simm.s32 $0x400;
	s3 =	simm.s32 $0x80;
	s7 =	rddreg [dreg:$0x3]  }
0xb: {  	[tilespmem:s2], [sflag:$0x3] =	stream.strided.gather [hbm4b:s7+s3], $0x600, s4, s3, $0x38;
	[tilespmem:$0x8600] =	vst v63  }
0xc: {  	_ =	swait.ge [sflag:s5], $0x600  }
0xd: {  	[sflag:s5] =	ssyncset.done $0x0  }
0xe: {  	s6 =	sadd.s32 $0xF44400, s6;
	s7 =	simm.s32 $0x600;
	[sflag:s5] =	ssyncadd.s32 $0xFFFFFA00  }
0xf: {  	[tilespmem:s7], [sflag:$0x1] =	stream.indirect.gather [hbm4b:s6+s3], $0x80, s2, s3, $0xb8;
	[tilespmem:$0x8600] =	vst v63  }
0x10: {  	s9 =	simm.s32 $0x1;
	s11 =	smul.u32 $0x30000, s8;
	s8 =	simm.s32 $0x4600  }
0x11: {  	[tilespmem:s8], [sflag:$0x1] =	stream.indirect.gather [hbm4b:s6+s3], $0x80, s3, s3, $0xb8;
	[tilespmem:$0x8600] =	vst v63  }
0x12: {  	_ =	swait.ge [sflag:s9], $0x4000  }
0x13: {  	s11 =	sshrl.u32 s11, $0x3;
	[sflag:s9] =	ssyncset.done $0x0  }
0x14: {  	s11 =	sadd.s32 s10, s11;
	s10 =	simm.s32 $0x2;
	[sflag:s9] =	ssyncadd.s32 $0xFFFFC000  }
0x15: {  	[hbm4b:s11+s2] =	stream.linear.scatter [tilespmem:s7], [sflag:$0x2], $0x4000, $0x38;
	[tilespmem:$0x8600] =	vst v63  }
0x16: {  	_ =	swait.ge [sflag:s10], $0x4000  }
0x17: {  	[sflag:s10] =	ssyncset.done $0x0  }
0x18: {  	s12 =	simm.s32 $0x100;
	[sflag:s10] =	ssyncadd.s32 $0xFFFFC000  }
0x19: {  	[tilespmem:s7], [sflag:$0x1] =	stream.indirect.gather [hbm4b:s6+s3], $0x80, s12, s3, $0xb8;
	[tilespmem:$0x8600] =	vst v63  }
0x1a: {  	_ =	swait.ge [sflag:s9], $0x4000  }
0x1b: {  	[sflag:s9] =	ssyncset.done $0x0  }
0x1c: {  	s13 =	rddreg [dreg:$0x4];
	[sflag:s9] =	ssyncadd.s32 $0xFFFFC000  }
0x1d: {  	[hbm4b:s13+s2] =	stream.linear.scatter [tilespmem:s8], [sflag:$0x2], $0x4000, $0x38;
	[tilespmem:$0x8600] =	vst v63  }
0x1e: {  	_ =	swait.ge [sflag:s10], $0x4000  }
0x1f: {  	[sflag:s10] =	ssyncset.done $0x0  }
0x20: {  	s13 =	simm.s32 $0x180;
	[sflag:s10] =	ssyncadd.s32 $0xFFFFC000  }
0x21: {  	[tilespmem:s8], [sflag:$0x1] =	stream.indirect.gather [hbm4b:s6+s3], $0x80, s13, s3, $0xb8;
	[tilespmem:$0x8600] =	vst v63  }
0x22: {  	_ =	swait.ge [sflag:s9], $0x4000  }
0x23: {  	[sflag:s9] =	ssyncset.done $0x0  }
0x24: {  	s14 =	sadd.s32 $0x1000, s11;
	[sflag:s9] =	ssyncadd.s32 $0xFFFFC000  }
0x25: {  	[hbm4b:s14+s2] =	stream.linear.scatter [tilespmem:s7], [sflag:$0x2], $0x4000, $0x38;
	[tilespmem:$0x8600] =	vst v63  }
0x26: {  	_ =	swait.ge [sflag:s10], $0x4000  }
0x27: {  	[sflag:s10] =	ssyncset.done $0x0  }
0x28: {  	s15 =	simm.s32 $0x200;
	[sflag:s10] =	ssyncadd.s32 $0xFFFFC000  }
0x29: {  	[tilespmem:s7], [sflag:$0x1] =	stream.indirect.gather [hbm4b:s6+s3], $0x80, s15, s3, $0xb8;
	[tilespmem:$0x8600] =	vst v63  }
0x2a: {  	_ =	swait.ge [sflag:s9], $0x4000  }
0x2b: {  	[sflag:s9] =	ssyncset.done $0x0  }
0x2c: {  	s16 =	sadd.s32 $0x1800, s31;
	[sflag:s9] =	ssyncadd.s32 $0xFFFFC000  }
0x2d: {  	[hbm4b:s16+s2] =	stream.linear.scatter [tilespmem:s8], [sflag:$0x2], $0x4000, $0x38;
	[tilespmem:$0x8600] =	vst v63  }
0x2e: {  	_ =	swait.ge [sflag:s10], $0x4000  }
0x2f: {  	[sflag:s10] =	ssyncset.done $0x0  }
0x30: {  	s17 =	simm.s32 $0x280;
	[sflag:s10] =	ssyncadd.s32 $0xFFFFC000  }
0x31: {  	[tilespmem:s8], [sflag:$0x1] =	stream.indirect.gather [hbm4b:s6+s3], $0x80, s17, s3, $0xb8;
	[tilespmem:$0x8600] =	vst v63  }
0x32: {  	_ =	swait.ge [sflag:s9], $0x4000  }
0x33: {  	[sflag:s9] =	ssyncset.done $0x0  }
0x34: {  	s18 =	sadd.s32 $0x2000, s11;
	[sflag:s9] =	ssyncadd.s32 $0xFFFFC000  }
0x35: {  	[hbm4b:s18+s2] =	stream.linear.scatter [tilespmem:s7], [sflag:$0x2], $0x4000, $0x38;
	[tilespmem:$0x8600] =	vst v63  }
0x36: {  	_ =	swait.ge [sflag:s10], $0x4000  }
0x37: {  	[sflag:s10] =	ssyncset.done $0x0  }
0x38: {  	s19 =	simm.s32 $0x300;
	[sflag:s10] =	ssyncadd.s32 $0xFFFFC000  }
0x39: {  	[tilespmem:s7], [sflag:$0x1] =	stream.indirect.gather [hbm4b:s6+s3], $0x80, s19, s3, $0xb8;
	[tilespmem:$0x8600] =	vst v63  }
0x3a: {  	_ =	swait.ge [sflag:s9], $0x4000  }
0x3b: {  	[sflag:s9] =	ssyncset.done $0x0  }
0x3c: {  	s20 =	sadd.s32 $0x2800, s31;
	[sflag:s9] =	ssyncadd.s32 $0xFFFFC000  }
0x3d: {  	[hbm4b:s20+s2] =	stream.linear.scatter [tilespmem:s8], [sflag:$0x2], $0x4000, $0x38;
	[tilespmem:$0x8600] =	vst v63  }
0x3e: {  	_ =	swait.ge [sflag:s10], $0x4000  }
0x3f: {  	[sflag:s10] =	ssyncset.done $0x0  }
0x40: {  	s21 =	simm.s32 $0x380;
	[sflag:s10] =	ssyncadd.s32 $0xFFFFC000  }
0x41: {  	[tilespmem:s8], [sflag:$0x1] =	stream.indirect.gather [hbm4b:s6+s3], $0x80, s21, s3, $0xb8;
	[tilespmem:$0x8600] =	vst v63  }
0x42: {  	_ =	swait.ge [sflag:s9], $0x4000  }
0x43: {  	[sflag:s9] =	ssyncset.done $0x0  }
0x44: {  	s22 =	sadd.s32 $0x3000, s11;
	[sflag:s9] =	ssyncadd.s32 $0xFFFFC000  }
0x45: {  	[hbm4b:s22+s2] =	stream.linear.scatter [tilespmem:s7], [sflag:$0x2], $0x4000, $0x38;
	[tilespmem:$0x8600] =	vst v63  }
0x46: {  	_ =	swait.ge [sflag:s10], $0x4000  }
0x47: {  	[sflag:s10] =	ssyncset.done $0x0  }
0x48: {  	[sflag:s10] =	ssyncadd.s32 $0xFFFFC000  }
0x49: {  	[tilespmem:s7], [sflag:$0x1] =	stream.indirect.gather [hbm4b:s6+s3], $0x80, s4, s3, $0xb8;
	[tilespmem:$0x8600] =	vst v63  }
0x4a: {  	_ =	swait.ge [sflag:s9], $0x4000  }
0x4b: {  	[sflag:s9] =	ssyncset.done $0x0  }
0x4c: {  	s23 =	sadd.s32 $0x3800, s31;
	[sflag:s9] =	ssyncadd.s32 $0xFFFFC000  }
0x4d: {  	[hbm4b:s23+s2] =	stream.linear.scatter [tilespmem:s8], [sflag:$0x2], $0x4000, $0x38;
	[tilespmem:$0x8600] =	vst v63  }
0x4e: {  	_ =	swait.ge [sflag:s10], $0x4000  }
0x4f: {  	[sflag:s10] =	ssyncset.done $0x0  }
0x50: {  	s24 =	simm.s32 $0x480;
	[sflag:s10] =	ssyncadd.s32 $0xFFFFC000  }
0x51: {  	[tilespmem:s8], [sflag:$0x1] =	stream.indirect.gather [hbm4b:s6+s3], $0x80, s24, s3, $0xb8;
	[tilespmem:$0x8600] =	vst v63  }
0x52: {  	_ =	swait.ge [sflag:s9], $0x4000  }
0x53: {  	[sflag:s9] =	ssyncset.done $0x0  }
0x54: {  	s25 =	sadd.s32 $0x4000, s11;
	[sflag:s9] =	ssyncadd.s32 $0xFFFFC000  }
0x55: {  	[hbm4b:s25+s2] =	stream.linear.scatter [tilespmem:s7], [sflag:$0x2], $0x4000, $0x38;
	[tilespmem:$0x8600] =	vst v63  }
0x56: {  	_ =	swait.ge [sflag:s10], $0x4000  }
0x57: {  	[sflag:s10] =	ssyncset.done $0x0  }
0x58: {  	s26 =	simm.s32 $0x500;
	[sflag:s10] =	ssyncadd.s32 $0xFFFFC000  }
0x59: {  	[tilespmem:s7], [sflag:$0x1] =	stream.indirect.gather [hbm4b:s6+s3], $0x80, s26, s3, $0xb8;
	[tilespmem:$0x8600] =	vst v63  }
0x5a: {  	_ =	swait.ge [sflag:s9], $0x4000  }
0x5b: {  	[sflag:s9] =	ssyncset.done $0x0  }
0x5c: {  	s28 =	sadd.s32 $0x4800, s31;
	[sflag:s9] =	ssyncadd.s32 $0xFFFFC000  }
0x5d: {  	[hbm4b:s28+s2] =	stream.linear.scatter [tilespmem:s8], [sflag:$0x2], $0x4000, $0x38;
	[tilespmem:$0x8600] =	vst v63  }
0x5e: {  	_ =	swait.ge [sflag:s10], $0x4000  }
0x5f: {  	[sflag:s10] =	ssyncset.done $0x0  }
0x60: {  	s29 =	simm.s32 $0x580;
	[sflag:s10] =	ssyncadd.s32 $0xFFFFC000  }
0x61: {  	[tilespmem:s8], [sflag:$0x1] =	stream.indirect.gather [hbm4b:s6+s3], $0x80, s29, s3, $0xb8;
	[tilespmem:$0x8600] =	vst v63  }
0x62: {  	_ =	swait.ge [sflag:s9], $0x4000  }
0x63: {  	s1 =	ssub.s32 $0x2, s1;
	[sflag:s9] =	ssyncset.done $0x0  }
0x64: {  	s0 =	sshrl.u32 s1, $0x1;
	s30 =	sadd.s32 $0x5000, s11;
	[sflag:s9] =	ssyncadd.s32 $0xFFFFC000  }
0x65: {  	[hbm4b:s30+s2] =	stream.linear.scatter [tilespmem:s7], [sflag:$0x2], $0x4000, $0x38;
	[tilespmem:$0x8600] =	vst v63  }
0x66: {  	s0 =	ssub.s32 s1, s0;
	_ =	swait.ge [sflag:s10], $0x4000  }
0x67: {  	s0 =	smax.u32 s0, $0x1;
	[sflag:s10] =	ssyncset.done $0x0  }
0x68: {  	p0 =	sne.s32 s0, $0x1;
	[sflag:s10] =	ssyncadd.s32 $0xFFFFC000  }
.Ltmp0:
0x69: {  	_ =	swait.ge [sflag:s9], $0x4000;
	(pc) =	sbr.rel @!p0 .LBB2_2-.Ltmp0, $4  }
0x6a: {  	[sflag:s9] =	ssyncset.done $0x0  }
0x6b: {  	s31 =	sadd.s32 $0x5800, s31;
	[sflag:s9] =	ssyncadd.s32 $0xFFFFC000  }
0x6c: {  	[hbm4b:s31+s2] =	stream.linear.scatter [tilespmem:s8], [sflag:$0x2], $0x4000, $0x38;
	[tilespmem:$0x8600] =	vst v63  }
0x6d: {  	s1 =	sadd.s32 $0xFFFFFFFF, s0;
	_ =	swait.ge [sflag:s10], $0x4000  }
.LBB2_1:
0x6e: {  	[sflag:s10] =	ssyncset.done $0x0  }
0x6f: {  	s0 =	rddreg [dreg:$0x3];
	[sflag:s10] =	ssyncadd.s32 $0xFFFFC000  }
0x70: {  	[tilespmem:s2], [sflag:$0x3] =	stream.strided.gather [hbm4b:s0+s3], $0x600, s4, s3, $0x38;
	[tilespmem:$0x8600] =	vst v63  }
0x71: {  	_ =	swait.ge [sflag:s5], $0x600  }
0x72: {  	[sflag:s5] =	ssyncset.done $0x0  }
0x73: {  	[sflag:s5] =	ssyncadd.s32 $0xFFFFFA00  }
0x74: {  	[tilespmem:s7], [sflag:$0x1] =	stream.indirect.gather [hbm4b:s6+s3], $0x80, s2, s3, $0xb8;
	[tilespmem:$0x8600] =	vst v63  }
0x75: {  	_ = 	snop  }
0x76: {  	[tilespmem:s8], [sflag:$0x1] =	stream.indirect.gather [hbm4b:s6+s3], $0x80, s3, s3, $0xb8;
	[tilespmem:$0x8600] =	vst v63  }
0x77: {  	_ =	swait.ge [sflag:s9], $0x4000  }
0x78: {  	[sflag:s9] =	ssyncset.done $0x0  }
0x79: {  	[sflag:s9] =	ssyncadd.s32 $0xFFFFC000  }
0x7a: {  	[hbm4b:s11+s2] =	stream.linear.scatter [tilespmem:s7], [sflag:$0x2], $0x4000, $0x38;
	[tilespmem:$0x8600] =	vst v63  }
0x7b: {  	_ =	swait.ge [sflag:s10], $0x4000  }
0x7c: {  	[sflag:s10] =	ssyncset.done $0x0  }
0x7d: {  	[sflag:s10] =	ssyncadd.s32 $0xFFFFC000  }
0x7e: {  	[tilespmem:s7], [sflag:$0x1] =	stream.indirect.gather [hbm4b:s6+s3], $0x80, s12, s3, $0xb8;
	[tilespmem:$0x8600] =	vst v63  }
0x7f: {  	_ =	swait.ge [sflag:s9], $0x4000  }
0x80: {  	[sflag:s9] =	ssyncset.done $0x0  }
0x81: {  	s0 =	rddreg [dreg:$0x4];
	[sflag:s9] =	ssyncadd.s32 $0xFFFFC000  }
0x82: {  	[hbm4b:s0+s2] =	stream.linear.scatter [tilespmem:s8], [sflag:$0x2], $0x4000, $0x38;
	[tilespmem:$0x8600] =	vst v63  }
0x83: {  	_ =	swait.ge [sflag:s10], $0x4000  }
0x84: {  	[sflag:s10] =	ssyncset.done $0x0  }
0x85: {  	[sflag:s10] =	ssyncadd.s32 $0xFFFFC000  }
0x86: {  	[tilespmem:s8], [sflag:$0x1] =	stream.indirect.gather [hbm4b:s6+s3], $0x80, s13, s3, $0xb8;
	[tilespmem:$0x8600] =	vst v63  }
0x87: {  	_ =	swait.ge [sflag:s9], $0x4000  }
0x88: {  	[sflag:s9] =	ssyncset.done $0x0  }
0x89: {  	[sflag:s9] =	ssyncadd.s32 $0xFFFFC000  }
0x8a: {  	[hbm4b:s14+s2] =	stream.linear.scatter [tilespmem:s7], [sflag:$0x2], $0x4000, $0x38;
	[tilespmem:$0x8600] =	vst v63  }
0x8b: {  	_ =	swait.ge [sflag:s10], $0x4000  }
0x8c: {  	[sflag:s10] =	ssyncset.done $0x0  }
0x8d: {  	[sflag:s10] =	ssyncadd.s32 $0xFFFFC000  }
0x8e: {  	[tilespmem:s7], [sflag:$0x1] =	stream.indirect.gather [hbm4b:s6+s3], $0x80, s15, s3, $0xb8;
	[tilespmem:$0x8600] =	vst v63  }
0x8f: {  	_ =	swait.ge [sflag:s9], $0x4000  }
0x90: {  	[sflag:s9] =	ssyncset.done $0x0  }
0x91: {  	[sflag:s9] =	ssyncadd.s32 $0xFFFFC000  }
0x92: {  	[hbm4b:s16+s2] =	stream.linear.scatter [tilespmem:s8], [sflag:$0x2], $0x4000, $0x38;
	[tilespmem:$0x8600] =	vst v63  }
0x93: {  	_ =	swait.ge [sflag:s10], $0x4000  }
0x94: {  	[sflag:s10] =	ssyncset.done $0x0  }
0x95: {  	[sflag:s10] =	ssyncadd.s32 $0xFFFFC000  }
0x96: {  	[tilespmem:s8], [sflag:$0x1] =	stream.indirect.gather [hbm4b:s6+s3], $0x80, s17, s3, $0xb8;
	[tilespmem:$0x8600] =	vst v63  }
0x97: {  	_ =	swait.ge [sflag:s9], $0x4000  }
0x98: {  	[sflag:s9] =	ssyncset.done $0x0  }
0x99: {  	[sflag:s9] =	ssyncadd.s32 $0xFFFFC000  }
0x9a: {  	[hbm4b:s18+s2] =	stream.linear.scatter [tilespmem:s7], [sflag:$0x2], $0x4000, $0x38;
	[tilespmem:$0x8600] =	vst v63  }
0x9b: {  	_ =	swait.ge [sflag:s10], $0x4000  }
0x9c: {  	[sflag:s10] =	ssyncset.done $0x0  }
0x9d: {  	[sflag:s10] =	ssyncadd.s32 $0xFFFFC000  }
0x9e: {  	[tilespmem:s7], [sflag:$0x1] =	stream.indirect.gather [hbm4b:s6+s3], $0x80, s19, s3, $0xb8;
	[tilespmem:$0x8600] =	vst v63  }
0x9f: {  	_ =	swait.ge [sflag:s9], $0x4000  }
0xa0: {  	[sflag:s9] =	ssyncset.done $0x0  }
0xa1: {  	[sflag:s9] =	ssyncadd.s32 $0xFFFFC000  }
0xa2: {  	[hbm4b:s20+s2] =	stream.linear.scatter [tilespmem:s8], [sflag:$0x2], $0x4000, $0x38;
	[tilespmem:$0x8600] =	vst v63  }
0xa3: {  	_ =	swait.ge [sflag:s10], $0x4000  }
0xa4: {  	[sflag:s10] =	ssyncset.done $0x0  }
0xa5: {  	[sflag:s10] =	ssyncadd.s32 $0xFFFFC000  }
0xa6: {  	[tilespmem:s8], [sflag:$0x1] =	stream.indirect.gather [hbm4b:s6+s3], $0x80, s21, s3, $0xb8;
	[tilespmem:$0x8600] =	vst v63  }
0xa7: {  	_ =	swait.ge [sflag:s9], $0x4000  }
0xa8: {  	[sflag:s9] =	ssyncset.done $0x0  }
0xa9: {  	[sflag:s9] =	ssyncadd.s32 $0xFFFFC000  }
0xaa: {  	[hbm4b:s22+s2] =	stream.linear.scatter [tilespmem:s7], [sflag:$0x2], $0x4000, $0x38;
	[tilespmem:$0x8600] =	vst v63  }
0xab: {  	_ =	swait.ge [sflag:s10], $0x4000  }
0xac: {  	[sflag:s10] =	ssyncset.done $0x0  }
0xad: {  	[sflag:s10] =	ssyncadd.s32 $0xFFFFC000  }
0xae: {  	[tilespmem:s7], [sflag:$0x1] =	stream.indirect.gather [hbm4b:s6+s3], $0x80, s4, s3, $0xb8;
	[tilespmem:$0x8600] =	vst v63  }
0xaf: {  	_ =	swait.ge [sflag:s9], $0x4000  }
0xb0: {  	[sflag:s9] =	ssyncset.done $0x0  }
0xb1: {  	[sflag:s9] =	ssyncadd.s32 $0xFFFFC000  }
0xb2: {  	[hbm4b:s23+s2] =	stream.linear.scatter [tilespmem:s8], [sflag:$0x2], $0x4000, $0x38;
	[tilespmem:$0x8600] =	vst v63  }
0xb3: {  	_ =	swait.ge [sflag:s10], $0x4000  }
0xb4: {  	[sflag:s10] =	ssyncset.done $0x0  }
0xb5: {  	[sflag:s10] =	ssyncadd.s32 $0xFFFFC000  }
0xb6: {  	[tilespmem:s8], [sflag:$0x1] =	stream.indirect.gather [hbm4b:s6+s3], $0x80, s24, s3, $0xb8;
	[tilespmem:$0x8600] =	vst v63  }
0xb7: {  	_ =	swait.ge [sflag:s9], $0x4000  }
0xb8: {  	[sflag:s9] =	ssyncset.done $0x0  }
0xb9: {  	[sflag:s9] =	ssyncadd.s32 $0xFFFFC000  }
0xba: {  	[hbm4b:s25+s2] =	stream.linear.scatter [tilespmem:s7], [sflag:$0x2], $0x4000, $0x38;
	[tilespmem:$0x8600] =	vst v63  }
0xbb: {  	_ =	swait.ge [sflag:s10], $0x4000  }
0xbc: {  	[sflag:s10] =	ssyncset.done $0x0  }
0xbd: {  	[sflag:s10] =	ssyncadd.s32 $0xFFFFC000  }
0xbe: {  	[tilespmem:s7], [sflag:$0x1] =	stream.indirect.gather [hbm4b:s6+s3], $0x80, s26, s3, $0xb8;
	[tilespmem:$0x8600] =	vst v63  }
0xbf: {  	_ =	swait.ge [sflag:s9], $0x4000  }
0xc0: {  	[sflag:s9] =	ssyncset.done $0x0  }
0xc1: {  	[sflag:s9] =	ssyncadd.s32 $0xFFFFC000  }
0xc2: {  	[hbm4b:s28+s2] =	stream.linear.scatter [tilespmem:s8], [sflag:$0x2], $0x4000, $0x38;
	[tilespmem:$0x8600] =	vst v63  }
0xc3: {  	_ =	swait.ge [sflag:s10], $0x4000  }
0xc4: {  	[sflag:s10] =	ssyncset.done $0x0  }
0xc5: {  	[sflag:s10] =	ssyncadd.s32 $0xFFFFC000  }
0xc6: {  	[tilespmem:s8], [sflag:$0x1] =	stream.indirect.gather [hbm4b:s6+s3], $0x80, s29, s3, $0xb8;
	[tilespmem:$0x8600] =	vst v63  }
0xc7: {  	_ =	swait.ge [sflag:s9], $0x4000  }
0xc8: {  	[sflag:s9] =	ssyncset.done $0x0  }
0xc9: {  	[sflag:s9] =	ssyncadd.s32 $0xFFFFC000  }
0xca: {  	[hbm4b:s30+s2] =	stream.linear.scatter [tilespmem:s7], [sflag:$0x2], $0x4000, $0x38;
	[tilespmem:$0x8600] =	vst v63  }
0xcb: {  	_ =	swait.ge [sflag:s10], $0x4000  }
0xcc: {  	[sflag:s10] =	ssyncset.done $0x0  }
0xcd: {  	p0 =	sne.s32 s1, $0x1;
	[sflag:s10] =	ssyncadd.s32 $0xFFFFC000  }
.Ltmp1:
0xce: {  	_ =	swait.ge [sflag:s9], $0x4000;
	(pc) =	sbr.rel @p0 .LBB2_1-.Ltmp1, $4  }
0xcf: {  	[sflag:s9] =	ssyncset.done $0x0  }
0xd0: {  	[sflag:s9] =	ssyncadd.s32 $0xFFFFC000  }
0xd1: {  	[hbm4b:s31+s2] =	stream.linear.scatter [tilespmem:s8], [sflag:$0x2], $0x4000, $0x38;
	[tilespmem:$0x8600] =	vst v63  }
0xd2: {  	s1 =	sadd.s32 $0xFFFFFFFF, s1;
	_ =	swait.ge [sflag:s10], $0x4000  }
.LBB2_2:
0xd3: {  	[sflag:s10] =	ssyncset.done $0x0  }
0xd4: {  	[sflag:s10] =	ssyncadd.s32 $0xFFFFC000  }
0xd5: {  	_ =	sfence.sel $0x180000  }
0xd6: {  	[bflag:$0x0] =	sbarrier.arrive $0xFFFF  }
0xd7: {  	_ =	strace $0x90000047  }
0xd8: {  	s0 =	stileid.u32;
	[bflag:$0x2] =	sbarrier.arrive $0xFFFF  }
0xd9: {  	p0 =	sne.s32 s0, $0x0;
	s0 =	rddreg [dreg:$0x2]  }
0xda: {  	s0 =	sadd.s32 @!p0 $0x100000, s0  }
0xdb: {  	[sflag:s0] =	ssyncadd.tile.s32 @!p0 $0x1;
	_ =	shalt  }
.Lfunc_end2:
_tile_overlayer_lowered:
.L_overlay_start_2:
0xdc: {  	(tag) =	ssettag $0x2  }
0xdd: {  	s0 =	rddreg [dreg:$0x0];
	s2 =	stileid.u32  }
0xde: {  	s1 =	rddreg [dreg:$0x1];
	p0 =	sne.s32 s2, $0x0  }
0xdf: {  	s3 =	rddreg [dreg:$0x2];
	[bflag:$0x3] =	sbarrier.arrive $0xFFFF;
	s2 =	simm.s32 @!p0 $0x1C03  }
0xe0: {  	[timem:s3], [sflag:s2] =	dma.local @!p0 [hbm:s0], s1  }
0xe1: {  	s0 =	simm.s32 @!p0 $0x3  }
0xe2: {  	_ =	swait.ge @!p0 [sflag:s0], s1  }
0xe3: {  	s1 =	ssub.s32 @!p0 $0x0, s1;
	[sflag:s0] =	ssyncset.done @!p0 $0x0  }
0xe4: {  	[sflag:s0] =	ssyncadd.s32 @!p0 s1  }
0xe5: {  	[bflag:$0x3] =	sbarrier.arrive $0xFFFF  }
0xe6: {  	_ =	shalt  }

</sc_bundles>
